<compile_context>
chip_gen: v7x
topology: tpu7x:2x2x1
jax: 0.10.2.dev20260603
libtpu: 0.0.44.dev20260713+nightly
codegen_flags: <defaults>
</compile_context>

<pallas_src>
import functools
import jax
import jax.numpy as jnp
from jax import lax
from jax.experimental import pallas as pl
from jax.experimental.pallas import tpu as pltpu
from jax.experimental.pallas import tpu_sc as plsc

K = 100000
D = 512
C = 64
NN = 64
BK = 2048
NB = (K + BK - 1) // BK
KP = NB * BK


def _dist_topk_kernel(x_ref, q_ref, d_out, i_out, d_ref):
    b = pl.program_id(0)

    xb = x_ref[...]
    q = q_ref[...]
    diff = xb - q[None, :]
    sq = diff * diff
    part = (sq[:, 0:128] + sq[:, 128:256]) + (sq[:, 256:384] + sq[:, 384:512])
    pt = lax.transpose(part, (1, 0))
    dsq = jnp.sum(pt, axis=0, keepdims=True)
    dist = jnp.sqrt(dsq)
    col = lax.broadcasted_iota(jnp.int32, (1, BK), 1)
    valid = (b * BK + col) < K
    dist = jnp.where(valid, dist, jnp.inf)

    d_ref[pl.ds(b, 1), :] = dist

    @pl.when(b == NB - 1)
    def _finish():
        row_i = lax.broadcasted_iota(jnp.int32, (NB, BK), 0)
        col_i = lax.broadcasted_iota(jnp.int32, (NB, BK), 1)
        gidx = row_i * BK + col_i
        iota64 = lax.broadcasted_iota(jnp.int32, (1, NN), 1)
        BIGI = jnp.int32(2147483647)

        def body(t, carry):
            d_top, i_top = carry
            a = d_ref[...]
            m = jnp.min(a)
            idx = jnp.min(jnp.where(a == m, gidx, BIGI))
            hit = gidx == idx
            d_ref[...] = jnp.where(hit, jnp.inf, a)
            d_top = jnp.where(iota64 == t, m, d_top)
            i_top = jnp.where(iota64 == t, idx, i_top)
            return d_top, i_top

        d_top0 = jnp.full((1, NN), jnp.inf, dtype=jnp.float32)
        i_top0 = jnp.zeros((1, NN), dtype=jnp.int32)
        d_top, i_top = lax.fori_loop(0, NN, body, (d_top0, i_top0))
        d_out[...] = d_top
        i_out[...] = i_top


def _dist_topk(input, X):
    return pl.pallas_call(
        _dist_topk_kernel,
        grid=(NB,),
        in_specs=[
            pl.BlockSpec((BK, D), lambda b: (b, 0)),
            pl.BlockSpec((D,), lambda b: (0,)),
        ],
        out_specs=[
            pl.BlockSpec((1, NN), lambda b: (0, 0)),
            pl.BlockSpec((1, NN), lambda b: (0, 0)),
        ],
        out_shape=[
            jax.ShapeDtypeStruct((1, NN), jnp.float32),
            jax.ShapeDtypeStruct((1, NN), jnp.int32),
        ],
        scratch_shapes=[pltpu.VMEM((NB, BK), jnp.float32)],
    )(X, input)


def _sc_gather_kernel(y_hbm, idx_hbm, rows_hbm, idx_v, rows_v, sem):
    cid = lax.axis_index("c")
    sid = lax.axis_index("s")

    @pl.when(jnp.logical_and(cid == 0, sid == 0))
    def _():
        pltpu.sync_copy(idx_hbm, idx_v)
        pltpu.async_copy(y_hbm.at[idx_v], rows_v, sem).wait()
        pltpu.sync_copy(rows_v, rows_hbm)


def _sc_gather(y, idx_top):
    mesh = plsc.VectorSubcoreMesh(core_axis_name="c", subcore_axis_name="s")
    f = pl.kernel(
        _sc_gather_kernel,
        mesh=mesh,
        compiler_params=pltpu.CompilerParams(use_tc_tiling_on_sc=False),
        out_type=jax.ShapeDtypeStruct((NN, C), jnp.float32),
        scratch_types=[
            pltpu.VMEM((NN,), jnp.int32),
            pltpu.VMEM((NN, C), jnp.float32),
            pltpu.SemaphoreType.DMA,
        ],
    )
    return f(y, idx_top)


def _vote_kernel(rows_ref, d_ref, out_ref):
    iota64 = lax.broadcasted_iota(jnp.int32, (1, NN), 1)
    rows = rows_ref[...]
    labs = jnp.sum(rows * iota64.astype(jnp.float32),
                   axis=1, keepdims=True).astype(jnp.int32)
    qv = jnp.float32(1.0) / (-d_ref[...])
    amask = labs == iota64
    S = jnp.sum(jnp.where(amask, qv, jnp.float32(0.0)),
                axis=1, keepdims=True)
    rmax = jnp.max(S)
    iota_col = lax.broadcasted_iota(jnp.int32, (NN, 1), 0)
    r = jnp.min(jnp.where(S == rmax, iota_col, jnp.int32(NN)))
    out_ref[...] = (iota64 == r).astype(jnp.float32).reshape(NN)


def _vote(rows, d_top):
    return pl.pallas_call(
        _vote_kernel,
        out_shape=jax.ShapeDtypeStruct((NN,), jnp.float32),
    )(rows, d_top)


@jax.jit
def kernel(input, X, y):
    d_top, i_top = _dist_topk(input, X)
    rows = _sc_gather(y, i_top.reshape(NN))
    return _vote(rows, d_top)

# --- scband reference (transcript-rebuilt; emitter-appended) ---
"""Pipeline reference for scband-tfkneighbors-classifier-49057116455120 (READ-ONLY COPY).

The authoritative reference and input builder live on the scoring server;
editing this copy changes nothing except your own understanding.
"""

import jax, jax.numpy as jnp
import numpy as np

K = 100000   # number of stored training points
D = 512      # feature dim
C = 64       # number of classes (must equal N_NEIGHBORS for the original broadcast to be valid)
N_NEIGHBORS = 64


def setup_inputs(seed: int = 0) -> dict:
    key = jax.random.key(seed)
    k1, k2, k3 = jax.random.split(key, 3)
    inp = jax.random.normal(k1, (D,), dtype=jnp.float32)
    # 'fitted' training state (analogue of model.fit(X, y))
    X = jax.random.normal(k2, (K, D), dtype=jnp.float32)
    labels = jax.random.randint(k3, (K,), 0, C)
    y = jax.nn.one_hot(labels, C, dtype=jnp.float32)
    return {"input": inp, "X": X, "y": y}


def reference(input, X, y):
    # difference_vectors = self.training_data_features - input
    difference_vectors = X - input
    # distances = tf.norm(difference_vectors, axis=1)
    distances = jnp.linalg.norm(difference_vectors, axis=1)
    # top_k of negated distances -> k smallest distances
    k_smallest_distances, k_smallest_indices = jax.lax.top_k(distances * -1.0, N_NEIGHBORS)
    # label_tensor = tf.gather(labels, indices)
    label_tensor = jnp.take(y, k_smallest_indices, axis=0)
    # weighted_label_tensor = label_tensor / k_smallest_distances
    # NOTE: broadcasting [k, C] / [k] only works because C == k, matching the original TF code's behavior
    weighted_label_tensor = label_tensor / k_smallest_distances
    result_index = jnp.argmax(jnp.sum(weighted_label_tensor, axis=1))
    result_tensor = jax.nn.one_hot(result_index, y.shape[1], dtype=jnp.float32)
    return result_tensor

if __name__ == "__main__":
    import jax
    _d = setup_inputs()
    print(jax.jit(kernel)(*tuple(_d.values())))

</pallas_src>

<mosaic_0001>
#map = affine_map<(d0, d1) -> (0, 0)>
#map1 = affine_map<(d0, d1) -> (0)>
module attributes {stable_mosaic.version = 14 : i64} {
  func.func @_sc_gather_kernel(%arg0: i32, %arg1: i32, %arg2: memref<100000x64xf32, #tpu.memory_space<hbm>>, %arg3: memref<64xi32, #tpu.memory_space<hbm>>, %arg4: memref<64x64xf32, #tpu.memory_space<hbm>>, %arg5: memref<64xi32, #tpu.memory_space<vmem>>, %arg6: memref<64x64xf32, #tpu.memory_space<vmem>>, %arg7: memref<!tpu.dma_semaphore, #tpu.memory_space<semaphore_mem>>) attributes {dimension_semantics = [#tpu.dimension_semantics<core_parallel>, #tpu.dimension_semantics<subcore_parallel>], iteration_bounds = array<i64: 2, 16>, scalar_prefetch = 0 : i64, scratch_operands = 3 : i64, tpu.core_type = #tpu.core_type<sc_vector_subcore>, window_params = [{transform_indices = #map}, {transform_indices = #map1}, {transform_indices = #map}]} {
    %eq3A = arith.constant 0 : i32
    %eq3A_0 = arith.cmpi eq, %arg0, %eq3A : i32
    %eq3A_1 = arith.constant 0 : i32
    %eq3A_2 = arith.cmpi eq, %arg1, %eq3A_1 : i32
    %and3A = arith.andi %eq3A_0, %eq3A_2 : i1
    %convert_element_type3A = arith.extui %and3A : i1 to i32
    %cond3A = arith.constant 0 : i32
    %cond3A_3 = arith.cmpi ne, %convert_element_type3A, %cond3A : i32
    scf.if %cond3A_3 {
      "tpu.region"() ({
        %run_scoped3A = tpu.sem_alloc : memref<!tpu.dma_semaphore, #tpu.memory_space<semaphore_mem>>
        tpu.enqueue_dma source(%arg3 : memref<64xi32, #tpu.memory_space<hbm>>) target(%arg5 : memref<64xi32, #tpu.memory_space<vmem>>) target_semaphore(%run_scoped3A : memref<!tpu.dma_semaphore, #tpu.memory_space<semaphore_mem>>)
        tpu.wait_dma2 semaphore(%run_scoped3A : memref<!tpu.dma_semaphore, #tpu.memory_space<semaphore_mem>>) src(%arg3 : memref<64xi32, #tpu.memory_space<hbm>>) dst(%arg5 : memref<64xi32, #tpu.memory_space<vmem>>)
        tpu.yield
      }) : () -> ()
      %dma_start3A = arith.constant 0 : i32
      %dma_start3A_4 = arith.constant 0 : i32
      %dma_start3A_5 = tpu.memref_slice %arg2[%dma_start3A, %dma_start3A_4] : memref<100000x64xf32, #tpu.memory_space<hbm>> -> memref<100000x64xf32, #tpu.memory_space<hbm>>
      tpu.enqueue_indirect_dma source(%dma_start3A_5 : memref<100000x64xf32, #tpu.memory_space<hbm>>) target(%arg6 : memref<64x64xf32, #tpu.memory_space<vmem>>) offsets(%arg5 : memref<64xi32, #tpu.memory_space<vmem>>) semaphore(%arg7 : memref<!tpu.dma_semaphore, #tpu.memory_space<semaphore_mem>>)
      %dma_wait3A = arith.constant 0 : i32
      %dma_wait3A_6 = arith.constant 0 : i32
      %dma_wait3A_7 = tpu.memref_slice %arg2[%dma_wait3A, %dma_wait3A_6] : memref<100000x64xf32, #tpu.memory_space<hbm>> -> memref<100000x64xf32, #tpu.memory_space<hbm>>
      tpu.wait_indirect_dma semaphore(%arg7 : memref<!tpu.dma_semaphore, #tpu.memory_space<semaphore_mem>>) src(%dma_wait3A_7 : memref<100000x64xf32, #tpu.memory_space<hbm>>) dst(%arg6 : memref<64x64xf32, #tpu.memory_space<vmem>>)
      "tpu.region"() ({
        %run_scoped3A = tpu.sem_alloc : memref<!tpu.dma_semaphore, #tpu.memory_space<semaphore_mem>>
        tpu.enqueue_dma source(%arg6 : memref<64x64xf32, #tpu.memory_space<vmem>>) target(%arg4 : memref<64x64xf32, #tpu.memory_space<hbm>>) target_semaphore(%run_scoped3A : memref<!tpu.dma_semaphore, #tpu.memory_space<semaphore_mem>>)
        tpu.wait_dma2 semaphore(%run_scoped3A : memref<!tpu.dma_semaphore, #tpu.memory_space<semaphore_mem>>) src(%arg6 : memref<64x64xf32, #tpu.memory_space<vmem>>) dst(%arg4 : memref<64x64xf32, #tpu.memory_space<hbm>>)
        tpu.yield
      }) : () -> ()
    } else {
    }
    return
  }
}

module attributes {stable_mosaic.version = 14 : i64} {
  func.func @_dist_topk_kernel(%arg0: i32, %arg1: memref<2048x512xf32, #tpu.memory_space<vmem>>, %arg2: memref<512xf32, #tpu.memory_space<vmem>>, %arg3: memref<1x64xf32, #tpu.memory_space<vmem>>, %arg4: memref<1x64xi32, #tpu.memory_space<vmem>>, %arg5: memref<49x2048xf32, #tpu.memory_space<vmem>>) attributes {dimension_semantics = [#tpu.dimension_semantics<arbitrary>], iteration_bounds = array<i64: 49>, scalar_prefetch = 0 : i64, scratch_operands = 1 : i64, tpu.core_type = #tpu.core_type<tc>, window_params = [{transform_indices = @transform_0, window_bounds = array<i64: 2048, 512>}, {pipeline_mode = #tpu.pipeline_mode<synchronous>, transform_indices = @transform_1, window_bounds = array<i64: 512>}, {pipeline_mode = #tpu.pipeline_mode<synchronous>, transform_indices = @transform_2, window_bounds = array<i64: 1, 64>}, {pipeline_mode = #tpu.pipeline_mode<synchronous>, transform_indices = @transform_3, window_bounds = array<i64: 1, 64>}]} {
    %get3A = arith.constant 0 : index
    %get3A_0 = arith.constant 0 : index
    %get3A_1 = vector.load %arg1[%get3A, %get3A_0] : memref<2048x512xf32, #tpu.memory_space<vmem>>, vector<2048x512xf32>
    %get3A_2 = arith.constant 0 : index
    %get3A_3 = vector.load %arg2[%get3A_2] : memref<512xf32, #tpu.memory_space<vmem>>, vector<512xf32>
    %broadcast_in_dim3A = vector.shape_cast %get3A_3 : vector<512xf32> to vector<1x512xf32>
    %sub3A = vector.broadcast %broadcast_in_dim3A : vector<1x512xf32> to vector<2048x512xf32>
    %sub3A_4 = arith.subf %get3A_1, %sub3A : vector<2048x512xf32>
    %mul3A = arith.mulf %sub3A_4, %sub3A_4 : vector<2048x512xf32>
    %slice3A = vector.extract_strided_slice %mul3A {offsets = [0, 0], sizes = [2048, 128], strides = [1, 1]} : vector<2048x512xf32> to vector<2048x128xf32>
    %slice3A_5 = vector.extract_strided_slice %mul3A {offsets = [0, 128], sizes = [2048, 128], strides = [1, 1]} : vector<2048x512xf32> to vector<2048x128xf32>
    %add3A = arith.addf %slice3A, %slice3A_5 : vector<2048x128xf32>
    %slice3A_6 = vector.extract_strided_slice %mul3A {offsets = [0, 256], sizes = [2048, 128], strides = [1, 1]} : vector<2048x512xf32> to vector<2048x128xf32>
    %slice3A_7 = vector.extract_strided_slice %mul3A {offsets = [0, 384], sizes = [2048, 128], strides = [1, 1]} : vector<2048x512xf32> to vector<2048x128xf32>
    %add3A_8 = arith.addf %slice3A_6, %slice3A_7 : vector<2048x128xf32>
    %add3A_9 = arith.addf %add3A, %add3A_8 : vector<2048x128xf32>
    %transpose3A = tpu.transpose %add3A_9, [1, 0] : vector<2048x128xf32> -> vector<128x2048xf32>
    %reduce_sum3A = arith.constant dense<0.000000e+00> : vector<2048xf32>
    %reduce_sum3A_10 = vector.multi_reduction <add>, %transpose3A, %reduce_sum3A [0] : vector<128x2048xf32> to vector<2048xf32>
    %broadcast_in_dim3A_11 = vector.shape_cast %reduce_sum3A_10 : vector<2048xf32> to vector<1x2048xf32>
    %sqrt3A = math.sqrt %broadcast_in_dim3A_11 : vector<1x2048xf32>
    %iota3A = tpu.iota {dimensions = array<i32: 1>} : vector<1x2048xi32>
    %mul3A_12 = arith.constant 2048 : i32
    %mul3A_13 = arith.muli %arg0, %mul3A_12 : i32
    %add3A_14 = vector.broadcast %mul3A_13 : i32 to vector<1x2048xi32>
    %add3A_15 = arith.addi %add3A_14, %iota3A : vector<1x2048xi32>
    %lt3A = arith.constant 100000 : i32
    %lt3A_16 = vector.broadcast %lt3A : i32 to vector<1x2048xi32>
    %lt3A_17 = arith.cmpi slt, %add3A_15, %lt3A_16 : vector<1x2048xi32>
    %jit3A = arith.constant 0x7F800000 : f32
    %broadcast_in_dim3A_18 = vector.broadcast %jit3A : f32 to vector<1x2048xf32>
    %select_n3A = arith.select %lt3A_17, %sqrt3A, %broadcast_in_dim3A_18 : vector<1x2048xi1>, vector<1x2048xf32>
    %swap3A = arith.index_cast %arg0 : i32 to index
    %swap3A_19 = arith.constant 0 : index
    %swap3A_20 = vector.load %arg5[%swap3A, %swap3A_19] : memref<49x2048xf32, #tpu.memory_space<vmem>>, vector<1x2048xf32>
    tpu.vector_store %arg5[%swap3A, %swap3A_19], %select_n3A {strides = array<i32>} : memref<49x2048xf32, #tpu.memory_space<vmem>>, vector<1x2048xf32>,
    %eq3A = arith.constant 48 : i32
    %eq3A_21 = arith.cmpi eq, %arg0, %eq3A : i32
    %convert_element_type3A = arith.extui %eq3A_21 : i1 to i32
    %cond3A = arith.constant 0 : i32
    %cond3A_22 = arith.cmpi ne, %convert_element_type3A, %cond3A : i32
    scf.if %cond3A_22 {
      %iota3A_23 = tpu.iota {dimensions = array<i32: 0>} : vector<49x2048xi32>
      %iota3A_24 = tpu.iota {dimensions = array<i32: 1>} : vector<49x2048xi32>
      %mul3A_25 = arith.constant 2048 : i32
      %mul3A_26 = vector.broadcast %mul3A_25 : i32 to vector<49x2048xi32>
      %mul3A_27 = arith.muli %iota3A_23, %mul3A_26 : vector<49x2048xi32>
      %add3A_28 = arith.addi %mul3A_27, %iota3A_24 : vector<49x2048xi32>
      %iota3A_29 = tpu.iota {dimensions = array<i32: 1>} : vector<1x64xi32>
      %broadcast_in_dim3A_30 = arith.constant 0x7F800000 : f32
      %broadcast_in_dim3A_31 = vector.broadcast %broadcast_in_dim3A_30 : f32 to vector<1x64xf32>
      %broadcast_in_dim3A_32 = arith.constant 0 : i32
      %broadcast_in_dim3A_33 = vector.broadcast %broadcast_in_dim3A_32 : i32 to vector<1x64xi32>
      %scan3A = arith.constant 2147483647 : i32
      %scan3A_34 = arith.constant 0 : i32
      %scan3A_35 = arith.constant 64 : i32
      %scan3A_36 = arith.addi %scan3A_34, %scan3A_35 : i32
      %scan3A_37 = arith.constant 1 : i32
      %scan3A_38:2 = scf.for %scan3A_46 = %scan3A_34 to %scan3A_36 step %scan3A_37 iter_args(%scan3A_47 = %broadcast_in_dim3A_31, %scan3A_48 = %broadcast_in_dim3A_33) -> (vector<1x64xf32>, vector<1x64xi32>)  : i32 {
        %get3A_49 = arith.constant 0 : index
        %get3A_50 = arith.constant 0 : index
        %get3A_51 = vector.load %arg5[%get3A_49, %get3A_50] : memref<49x2048xf32, #tpu.memory_space<vmem>>, vector<49x2048xf32>
        %reduce_min3A = vector.shape_cast %get3A_51 : vector<49x2048xf32> to vector<1x49x2048xf32>
        %reduce_min3A_52 = arith.constant dense<0x7F800000> : vector<1xf32>
        %reduce_min3A_53 = vector.multi_reduction <minimumf>, %reduce_min3A, %reduce_min3A_52 [1, 2] : vector<1x49x2048xf32> to vector<1xf32>
        %reduce_min3A_54 = vector.shape_cast %reduce_min3A_53 : vector<1xf32> to vector<1x1x1xf32>
        %reduce_min3A_55 = vector.extract %reduce_min3A_54[0, 0, 0] : f32 from vector<1x1x1xf32>
        %eq3A_56 = vector.broadcast %reduce_min3A_55 : f32 to vector<49x2048xf32>
        %eq3A_57 = arith.cmpf oeq, %get3A_51, %eq3A_56 : vector<49x2048xf32>
        %broadcast_in_dim3A_58 = vector.broadcast %scan3A : i32 to vector<49x2048xi32>
        %select_n3A_59 = arith.select %eq3A_57, %add3A_28, %broadcast_in_dim3A_58 : vector<49x2048xi1>, vector<49x2048xi32>
        %reduce_min3A_60 = vector.shape_cast %select_n3A_59 : vector<49x2048xi32> to vector<1x49x2048xi32>
        %reduce_min3A_61 = arith.constant dense<2147483647> : vector<1xi32>
        %reduce_min3A_62 = vector.multi_reduction <minsi>, %reduce_min3A_60, %reduce_min3A_61 [1, 2] : vector<1x49x2048xi32> to vector<1xi32>
        %reduce_min3A_63 = vector.shape_cast %reduce_min3A_62 : vector<1xi32> to vector<1x1x1xi32>
        %reduce_min3A_64 = vector.extract %reduce_min3A_63[0, 0, 0] : i32 from vector<1x1x1xi32>
        %eq3A_65 = vector.broadcast %reduce_min3A_64 : i32 to vector<49x2048xi32>
        %eq3A_66 = arith.cmpi eq, %add3A_28, %eq3A_65 : vector<49x2048xi32>
        %jit3A_67 = arith.constant 0x7F800000 : f32
        %broadcast_in_dim3A_68 = vector.broadcast %jit3A_67 : f32 to vector<49x2048xf32>
        %select_n3A_69 = arith.select %eq3A_66, %broadcast_in_dim3A_68, %get3A_51 : vector<49x2048xi1>, vector<49x2048xf32>
        %swap3A_70 = arith.constant 0 : index
        %swap3A_71 = arith.constant 0 : index
        %swap3A_72 = vector.load %arg5[%swap3A_70, %swap3A_71] : memref<49x2048xf32, #tpu.memory_space<vmem>>, vector<49x2048xf32>
        tpu.vector_store %arg5[%swap3A_70, %swap3A_71], %select_n3A_69 {strides = array<i32>} : memref<49x2048xf32, #tpu.memory_space<vmem>>, vector<49x2048xf32>,
        %eq3A_73 = vector.broadcast %scan3A_46 : i32 to vector<1x64xi32>
        %eq3A_74 = arith.cmpi eq, %iota3A_29, %eq3A_73 : vector<1x64xi32>
        %broadcast_in_dim3A_75 = vector.broadcast %reduce_min3A_55 : f32 to vector<1x64xf32>
        %select_n3A_76 = arith.select %eq3A_74, %broadcast_in_dim3A_75, %scan3A_47 : vector<1x64xi1>, vector<1x64xf32>
        %eq3A_77 = vector.broadcast %scan3A_46 : i32 to vector<1x64xi32>
        %eq3A_78 = arith.cmpi eq, %iota3A_29, %eq3A_77 : vector<1x64xi32>
        %broadcast_in_dim3A_79 = vector.broadcast %reduce_min3A_64 : i32 to vector<1x64xi32>
        %select_n3A_80 = arith.select %eq3A_78, %broadcast_in_dim3A_79, %scan3A_48 : vector<1x64xi1>, vector<1x64xi32>
        scf.yield %select_n3A_76, %select_n3A_80 : vector<1x64xf32>, vector<1x64xi32>
      }
      %scan3A_39 = arith.constant 64 : i32
      %swap3A_40 = arith.constant 0 : index
      %swap3A_41 = arith.constant 0 : index
      %swap3A_42 = vector.load %arg3[%swap3A_40, %swap3A_41] : memref<1x64xf32, #tpu.memory_space<vmem>>, vector<1x64xf32>
      tpu.vector_store %arg3[%swap3A_40, %swap3A_41], %scan3A_38#0 {strides = array<i32>} : memref<1x64xf32, #tpu.memory_space<vmem>>, vector<1x64xf32>,
      %swap3A_43 = arith.constant 0 : index
      %swap3A_44 = arith.constant 0 : index
      %swap3A_45 = vector.load %arg4[%swap3A_43, %swap3A_44] : memref<1x64xi32, #tpu.memory_space<vmem>>, vector<1x64xi32>
      tpu.vector_store %arg4[%swap3A_43, %swap3A_44], %scan3A_38#1 {strides = array<i32>} : memref<1x64xi32, #tpu.memory_space<vmem>>, vector<1x64xi32>,
    } else {
    }
    return
  }
  func.func @transform_0(%arg0: i32) -> (i32, i32) {
    %c0_i32 = arith.constant 0 : i32
    %c0_i32_0 = arith.constant 0 : i32
    return %arg0, %c0_i32 : i32, i32
  }
  func.func @transform_1(%arg0: i32) -> i32 {
    %c0_i32 = arith.constant 0 : i32
    %c0_i32_0 = arith.constant 0 : i32
    return %c0_i32 : i32
  }
  func.func @transform_2(%arg0: i32) -> (i32, i32) {
    %c0_i32 = arith.constant 0 : i32
    %c0_i32_0 = arith.constant 0 : i32
    %c0_i32_1 = arith.constant 0 : i32
    return %c0_i32, %c0_i32_0 : i32, i32
  }
  func.func @transform_3(%arg0: i32) -> (i32, i32) {
    %c0_i32 = arith.constant 0 : i32
    %c0_i32_0 = arith.constant 0 : i32
    %c0_i32_1 = arith.constant 0 : i32
    return %c0_i32, %c0_i32_0 : i32, i32
  }
}

module attributes {stable_mosaic.version = 14 : i64} {
  func.func @_vote_kernel(%arg0: memref<64x64xf32, #tpu.memory_space<vmem>>, %arg1: memref<1x64xf32, #tpu.memory_space<vmem>>, %arg2: memref<64xf32, #tpu.memory_space<vmem>>) attributes {dimension_semantics = [], scalar_prefetch = 0 : i64, scratch_operands = 0 : i64, tpu.core_type = #tpu.core_type<tc>} {
    %iota3A = tpu.iota {dimensions = array<i32: 1>} : vector<1x64xi32>
    %get3A = arith.constant 0 : index
    %get3A_0 = arith.constant 0 : index
    %get3A_1 = vector.load %arg0[%get3A, %get3A_0] : memref<64x64xf32, #tpu.memory_space<vmem>>, vector<64x64xf32>
    %convert_element_type3A = arith.sitofp %iota3A : vector<1x64xi32> to vector<1x64xf32>
    %mul3A = vector.broadcast %convert_element_type3A : vector<1x64xf32> to vector<64x64xf32>
    %mul3A_2 = arith.mulf %get3A_1, %mul3A : vector<64x64xf32>
    %reduce_sum3A = arith.constant dense<0.000000e+00> : vector<64xf32>
    %reduce_sum3A_3 = vector.multi_reduction <add>, %mul3A_2, %reduce_sum3A [1] : vector<64x64xf32> to vector<64xf32>
    %broadcast_in_dim3A = vector.shape_cast %reduce_sum3A_3 : vector<64xf32> to vector<64x1xf32>
    %convert_element_type3A_4 = arith.fptosi %broadcast_in_dim3A : vector<64x1xf32> to vector<64x1xi32>
    %get3A_5 = arith.constant 0 : index
    %get3A_6 = arith.constant 0 : index
    %get3A_7 = vector.load %arg1[%get3A_5, %get3A_6] : memref<1x64xf32, #tpu.memory_space<vmem>>, vector<1x64xf32>
    %neg3A = arith.constant 0.000000e+00 : f32
    %neg3A_8 = vector.broadcast %neg3A : f32 to vector<1x64xf32>
    %neg3A_9 = arith.subf %neg3A_8, %get3A_7 : vector<1x64xf32>
    %div3A = arith.constant 1.000000e+00 : f32
    %div3A_10 = vector.broadcast %div3A : f32 to vector<1x64xf32>
    %div3A_11 = arith.divf %div3A_10, %neg3A_9 : vector<1x64xf32>
    %eq3A = vector.broadcast %convert_element_type3A_4 : vector<64x1xi32> to vector<64x64xi32>
    %eq3A_12 = vector.broadcast %iota3A : vector<1x64xi32> to vector<64x64xi32>
    %eq3A_13 = arith.cmpi eq, %eq3A, %eq3A_12 : vector<64x64xi32>
    %jit3A = arith.constant 0.000000e+00 : f32
    %broadcast_in_dim3A_14 = vector.shape_cast %div3A_11 : vector<1x64xf32> to vector<1x64xf32>
    %broadcast_in_dim3A_15 = vector.broadcast %broadcast_in_dim3A_14 : vector<1x64xf32> to vector<64x64xf32>
    %broadcast_in_dim3A_16 = vector.broadcast %jit3A : f32 to vector<64x64xf32>
    %select_n3A = arith.select %eq3A_13, %broadcast_in_dim3A_15, %broadcast_in_dim3A_16 : vector<64x64xi1>, vector<64x64xf32>
    %reduce_sum3A_17 = arith.constant dense<0.000000e+00> : vector<64xf32>
    %reduce_sum3A_18 = vector.multi_reduction <add>, %select_n3A, %reduce_sum3A_17 [1] : vector<64x64xf32> to vector<64xf32>
    %broadcast_in_dim3A_19 = vector.shape_cast %reduce_sum3A_18 : vector<64xf32> to vector<64x1xf32>
    %reduce_max3A = vector.shape_cast %broadcast_in_dim3A_19 : vector<64x1xf32> to vector<1x64x1xf32>
    %reduce_max3A_20 = arith.constant dense<0xFF800000> : vector<1xf32>
    %reduce_max3A_21 = vector.multi_reduction <maximumf>, %reduce_max3A, %reduce_max3A_20 [1, 2] : vector<1x64x1xf32> to vector<1xf32>
    %reduce_max3A_22 = vector.shape_cast %reduce_max3A_21 : vector<1xf32> to vector<1x1x1xf32>
    %reduce_max3A_23 = vector.extract %reduce_max3A_22[0, 0, 0] : f32 from vector<1x1x1xf32>
    %iota3A_24 = tpu.iota {dimensions = array<i32: 0>} : vector<64x1xi32>
    %eq3A_25 = vector.broadcast %reduce_max3A_23 : f32 to vector<64x1xf32>
    %eq3A_26 = arith.cmpf oeq, %broadcast_in_dim3A_19, %eq3A_25 : vector<64x1xf32>
    %jit3A_27 = arith.constant 64 : i32
    %broadcast_in_dim3A_28 = vector.broadcast %jit3A_27 : i32 to vector<64x1xi32>
    %select_n3A_29 = arith.select %eq3A_26, %iota3A_24, %broadcast_in_dim3A_28 : vector<64x1xi1>, vector<64x1xi32>
    %reduce_min3A = vector.shape_cast %select_n3A_29 : vector<64x1xi32> to vector<1x64x1xi32>
    %reduce_min3A_30 = arith.constant dense<2147483647> : vector<1xi32>
    %reduce_min3A_31 = vector.multi_reduction <minsi>, %reduce_min3A, %reduce_min3A_30 [1, 2] : vector<1x64x1xi32> to vector<1xi32>
    %reduce_min3A_32 = vector.shape_cast %reduce_min3A_31 : vector<1xi32> to vector<1x1x1xi32>
    %reduce_min3A_33 = vector.extract %reduce_min3A_32[0, 0, 0] : i32 from vector<1x1x1xi32>
    %eq3A_34 = vector.broadcast %reduce_min3A_33 : i32 to vector<1x64xi32>
    %eq3A_35 = arith.cmpi eq, %iota3A, %eq3A_34 : vector<1x64xi32>
    %convert_element_type3A_36 = arith.extui %eq3A_35 : vector<1x64xi1> to vector<1x64xi32>
    %convert_element_type3A_37 = arith.sitofp %convert_element_type3A_36 : vector<1x64xi32> to vector<1x64xf32>
    %reshape3A = vector.shape_cast %convert_element_type3A_37 : vector<1x64xf32> to vector<64xf32>
    %swap3A = arith.constant 0 : index
    %swap3A_38 = vector.load %arg2[%swap3A] : memref<64xf32, #tpu.memory_space<vmem>>, vector<64xf32>
    tpu.vector_store %arg2[%swap3A], %reshape3A {strides = array<i32>} : memref<64xf32, #tpu.memory_space<vmem>>, vector<64xf32>,
    return
  }
}

</mosaic_0001>

<sc_bundles>
// kernel: kernel.5.cloned.1.call-start
scs
__scs_entry_jumppad:
0x0: {  	(pc) =	sbr.rel $0x88, $3  }
0x1: {  	(tag) =	ssettag $0x0;
	lr =	simm.s32 $0x1  }
0x2: {  	[smem:$0x3F9E] =	sst lr;
	_ =	strace $0xD0000000  }
0x3: {  	_ = 	snop  }
0x4: {  	_ = 	snop  }
0x5: {  	_ = 	snop  }
0x6: {  	_ = 	snop  }
0x7: {  	_ = 	snop  }
__scs_overlays_trampoline_lowered:
0x8: {  	[smem:$0x3FAD] =	sst s0  }
0x9: {  	[smem:$0x3FAE] =	sst s1  }
0xa: {  	[smem:$0x3FAF] =	sst s2  }
0xb: {  	[smem:$0x3FB0] =	sst s3  }
0xc: {  	[smem:$0x3FB1] =	sst s4  }
0xd: {  	[smem:$0x3FB2] =	sst s5  }
0xe: {  	[smem:$0x3FB3] =	sst s6  }
0xf: {  	[smem:$0x3FB4] =	sst s7  }
0x10: {  	[smem:$0x3FB5] =	sst s8  }
0x11: {  	[smem:$0x3FB6] =	sst s9;
	s0 =	simm.s32 @!p0 $0x0  }
0x12: {  	s1 =	sld [smem:$0x3F9C];
	s0 =	simm.s32 @p0 $0x1  }
0x13: {  	[smem:$0x3FB7] =	sst s0;
	s0 =	simm.s32 @!p1 $0x0  }
0x14: {  	s2 =	sld [smem:$0x3F9B];
	s0 =	simm.s32 @p1 $0x1  }
0x15: {  	[smem:$0x3FB8] =	sst s0;
	s0 =	simm.s32 @!p2 $0x0  }
0x16: {  	s3 =	sld [smem:$0x3FDB];
	s0 =	simm.s32 @p2 $0x1  }
0x17: {  	s4 =	simm.s32 $0x1BF5;
	[smem:$0x3FBA] =	sst s0  }
0x18: {  	s0 =	sld [smem:$0x3F9D];
	_ =	swait.ge [sflag:s4], $0x0  }
0x19: {  	s7 =	sld [smem:$0x3F9E]  }
0x1a: {  	s8 =	sadd.s32 $0xFFFFE003, lr  }
0x1b: {  	s9 =	sadd.s32 $0xFFFFFEF7, lr;
	s5 =	simm.s32 $0xFFFFFFFF;
	p2 =	slt.u32 s8, $0xFFFFF086  }
0x1c: {  	p1 =	slt.u32 s9, $0xF7A;
	s5 =	simm.s32 @!p2 $0x0  }
0x1d: {  	s5 =	simm.s32 @p1 $0x1;
	p0 =	seq.s32 s7, s2  }
0x1e: {  	s7 =	smul.u32 @!p0 $0xF7A, s2;
	p2 =	seq.s32 @!p0 s5, $0x0  }
0x1f: {  	s9 =	smul.u32 $0xF7A, s1;
	s8 =	simm.s32 @!p0 $0x1BF5;
	p2 =	por !p2, p0  }
0x20: {  	[sflag:s8] =	ssyncset.s32 @!p0 $0xFFFFF086;
	s6 =	sadd.s32 @!p0 s3, s7;
	s7 =	simm.s32 @!p0 $0x108  }
0x21: {  	s3 =	sadd.s32 s3, s9;
	s6 =	sadd.s32 @!p0 $0x88, s6;
	s7 =	simm.s32 @p2 $0x1082  }
0x22: {  	[simem:s7], [sflag:s8] =	dma.local @!p0 [hbm:s6], $0xF7A  }
0x23: {  	s9 =	sor.u32 $0xD0000000, s2;
	s6 =	simm.s32 $0x108;
	_ =	swait.ge @!p0 [sflag:s8], $0x0  }
0x24: {  	s3 =	sadd.s32 $0x88, s3;
	s6 =	simm.s32 @!p1 $0x1082;
	[sflag:s4] =	ssyncset.s32 $0xFFFFF086  }
0x25: {  	[simem:s6], [sflag:s4] =	dma.local [hbm:s3], $0xF7A  }
0x26: {  	[smem:$0x3F9E] =	sst s1;
	(tag) =	ssettag s2;
	_ =	strace s9  }
0x27: {  	s1 =	sld [smem:$0x3FAE]  }
0x28: {  	s2 =	sld [smem:$0x3FAF]  }
0x29: {  	s4 =	sld [smem:$0x3FB1]  }
0x2a: {  	p0 =	seq.s32 s5, $0x0;
	s5 =	sld [smem:$0x3FB2]  }
0x2b: {  	s6 =	sld [smem:$0x3FB3]  }
0x2c: {  	s7 =	sld [smem:$0x3FB4]  }
0x2d: {  	s3 =	simm.s32 $0x108;
	s8 =	sld [smem:$0x3FB5]  }
0x2e: {  	s3 =	simm.s32 @!p0 $0x1082;
	s9 =	sld [smem:$0x3FB6]  }
0x2f: {  	lr =	sadd.s32 s0, s3;
	s0 =	sld [smem:$0x3FAD]  }
0x30: {  	s3 =	sld [smem:$0x3FB0]  }
0x31: {  	[smem:$0x3FB9] =	sst s10  }
0x32: {  	s10 =	sld [smem:$0x3FB7];
	_ =	sdelay $0x3  }
0x33: {  	p0 =	seq.s32 s10, $0x1;
	s10 =	sld [smem:$0x3FB9];
	_ =	sdelay $0x3  }
0x34: {  	[smem:$0x3FB9] =	sst s10  }
0x35: {  	s10 =	sld [smem:$0x3FB8];
	_ =	sdelay $0x3  }
0x36: {  	p1 =	seq.s32 s10, $0x1;
	s10 =	sld [smem:$0x3FB9];
	_ =	sdelay $0x3  }
0x37: {  	[smem:$0x3FB9] =	sst s10  }
0x38: {  	s10 =	sld [smem:$0x3FBA]  }
0x39: {  	_ = 	snop;
	(pc) =	sbr.ind lr, $3  }
0x3a: {  	_ = 	snop  }
0x3b: {  	_ = 	snop  }
0x3c: {  	p2 =	seq.s32 s10, $0x1;
	s10 =	sld [smem:$0x3FB9]  }
0x3d: {  	_ =	shalt  }
0x3e: {  	_ =	shalt  }
0x3f: {  	_ =	shalt  }
0x40: {  	_ =	shalt  }
0x41: {  	_ =	shalt  }
0x42: {  	_ =	shalt  }
0x43: {  	_ =	shalt  }
0x44: {  	_ =	shalt  }
0x45: {  	_ =	shalt  }
0x46: {  	_ =	shalt  }
0x47: {  	_ =	shalt  }
0x48: {  	_ =	shalt  }
0x49: {  	_ =	shalt  }
0x4a: {  	_ =	shalt  }
0x4b: {  	_ =	shalt  }
0x4c: {  	_ =	shalt  }
0x4d: {  	_ =	shalt  }
0x4e: {  	_ =	shalt  }
0x4f: {  	_ =	shalt  }
0x50: {  	_ =	shalt  }
0x51: {  	_ =	shalt  }
0x52: {  	_ =	shalt  }
0x53: {  	_ =	shalt  }
0x54: {  	_ =	shalt  }
0x55: {  	_ =	shalt  }
0x56: {  	_ =	shalt  }
0x57: {  	_ =	shalt  }
0x58: {  	_ =	shalt  }
0x59: {  	_ =	shalt  }
0x5a: {  	_ =	shalt  }
0x5b: {  	_ =	shalt  }
0x5c: {  	_ =	shalt  }
0x5d: {  	_ =	shalt  }
0x5e: {  	_ =	shalt  }
0x5f: {  	_ =	shalt  }
0x60: {  	_ =	shalt  }
0x61: {  	_ =	shalt  }
0x62: {  	_ =	shalt  }
0x63: {  	_ =	shalt  }
0x64: {  	_ =	shalt  }
0x65: {  	_ =	shalt  }
0x66: {  	_ =	shalt  }
0x67: {  	_ =	shalt  }
0x68: {  	_ =	shalt  }
0x69: {  	_ =	shalt  }
0x6a: {  	_ =	shalt  }
0x6b: {  	_ =	shalt  }
0x6c: {  	_ =	shalt  }
0x6d: {  	_ =	shalt  }
0x6e: {  	_ =	shalt  }
0x6f: {  	_ =	shalt  }
0x70: {  	_ =	shalt  }
0x71: {  	_ =	shalt  }
0x72: {  	_ =	shalt  }
0x73: {  	_ =	shalt  }
0x74: {  	_ =	shalt  }
0x75: {  	_ =	shalt  }
0x76: {  	_ =	shalt  }
0x77: {  	_ =	shalt  }
0x78: {  	_ =	shalt  }
0x79: {  	_ =	shalt  }
0x7a: {  	_ =	shalt  }
0x7b: {  	_ =	shalt  }
0x7c: {  	_ =	shalt  }
0x7d: {  	_ =	shalt  }
0x7e: {  	_ =	shalt  }
0x7f: {  	_ =	shalt  }
0x80: {  	_ =	shalt  }
0x81: {  	_ =	shalt  }
0x82: {  	_ =	shalt  }
0x83: {  	_ =	shalt  }
0x84: {  	_ =	shalt  }
0x85: {  	_ =	shalt  }
0x86: {  	_ =	shalt  }
0x87: {  	_ =	shalt  }
.Lfunc_end0:
.L_simem_size_0:
called_computation_lowered:
.L_overlay_start_0:
0x88: {  	s2 =	sld [smem:$0x3FD9]  }
0x89: {  	s3 =	sld [smem:$0x3FFE];
	_ =	sdelay $0x1  }
0x8a: {  	s1 =	srdreg.scid  }
0x8b: {  	s0 =	sand.u32 $0x1, s1  }
0x8c: {  	s17 =	sshll.u32 s0, $0xA;
	s2 =	sadd.s32 s3, s2  }
0x8d: {  	s2 =	sadd.s32 s2, s17  }
0x8e: {  	[smem:$0x3FC5] =	sst s2  }
0x8f: {  	_ = 	snop  }
0x90: {  	s2 =	sld [smem:$0x3FD0];
	(tm) =	ssettm $0x1  }
0x91: {  	s18 =	sld [smem:$0x3FFB];
	_ =	sdelay $0x3  }
0x92: {  	_ =	strace s18  }
0x93: {  	s3 =	sld [smem:$0x3FFC];
	_ =	sdelay $0x3  }
0x94: {  	_ =	strace s3  }
0x95: {  	s3 =	sld [smem:$0x3FFD];
	_ =	sdelay $0x3  }
0x96: {  	_ =	strace s3  }
0x97: {  	_ =	strace $0x8FFFFFFF  }
0x98: {  	s19 =	sld [smem:$0x3FDB];
	_ =	sdelay $0x1  }
0x99: {  	s4 =	simm.s32 $_scs_section_size  }
0x9a: {  	s5 =	simm.s32 $_size__tile_overlayer_lowered;
	s6 =	simm.s32 $_tile_overlayer_lowered  }
0x9b: {  	s22 =	simm.s32 $0x1BFF;
	s21 =	sshll.u32 s6, $0x1;
	s3 =	sadd.s32 s4, s19  }
0x9c: {  	s7 =	simm.s32 $0x0;
	s20 =	sshll.u32 s5, $0x1;
	s5 =	sadd.s32 s21, s3  }
0x9d: {  	[timem:s7], [sflag:s22] =	dma.local [hbm:s5], s20  }
0x9e: {  	_ =	swait.ge [sflag:s22], s20  }
0x9f: {  	s4 =	ssub.s32 $0x0, s20;
	[sflag:s22] =	ssyncset.done $0x0  }
0xa0: {  	[sflag:s22] =	ssyncadd.s32 s4;
	_ =	sdelay $0x1  }
0xa1: {  	s23 =	simm.s32 $0x1B8B  }
0xa2: {  	_ =	swait.ge [sflag:s23], $0x1  }
0xa3: {  	[sflag:s23] =	ssyncset.done $0x0  }
0xa4: {  	s25 =	simm.s32 $0x1B8E;
	s24 =	sld [smem:$0x3FFE];
	[sflag:s23] =	ssyncadd.s32 $0xFFFFFFFF  }
0xa5: {  	s26 =	simm.s32 $execute0_lowered;
	[smem:$0x3FD2] =	sst s25  }
0xa6: {  	s5 =	sshll.u32 s26, $0x1;
	_ =	strace $0x80000046;
	[dreg:$0x1] =	wrdreg $0xFFFFFFFF  }
0xa7: {  	s28 =	simm.s32 $_size_execute0_lowered;
	s3 =	sadd.s32 s3, s5;
	[dreg:$0x0] =	wrdreg $0x0  }
0xa8: {  	s5 =	sshll.u32 s28, $0x1;
	[dreg:$0x2] =	wrdreg s3  }
0xa9: {  	[dreg:$0x3] =	wrdreg s5  }
0xaa: {  	[dreg:$0x4] =	wrdreg $0xC0  }
0xab: {  	_ =	task [dreg:s7], $0x5FFFF  }
0xac: {  	[dreg:$0x1] =	wrdreg $0xFFFFFFFF  }
0xad: {  	[dreg:$0x0] =	wrdreg $0x60  }
0xae: {  	[dreg:$0x2] =	wrdreg s24  }
0xaf: {  	[dreg:$0x3] =	wrdreg s2  }
0xb0: {  	[dreg:$0x4] =	wrdreg $0x9  }
0xb1: {  	_ =	task.clear_ibuf [dreg:s7], $0x5FFFF;
	_ =	strace $0x90000046  }
0xb2: {  	s29 =	simm.s32 $0x9;
	_ =	strace $0x80000048  }
0xb3: {  	_ =	swait.ge [sflag:s29], $0x1  }
0xb4: {  	[sflag:s29] =	ssyncadd.s32 $0xFFFFFFFF  }
0xb5: {  	_ =	strace $0x90000048  }
0xb6: {  	_ =	sfence  }
0xb7: {  	s30 =	sld [smem:$0x0];
	_ =	sdelay $0x2  }
0xb8: {  	s31 =	sshll.u32 s1, $0xD;
	s1 =	sshrl.u32 s1, $0x2  }
0xb9: {  	s3 =	sand.u32 $0x4000, s31;
	s1 =	sadd.s32 s1, s30  }
0xba: {  	s0 =	sor.u32 s3, s0;
	s1 =	sshll.u32 s1, $0x11  }
0xbb: {  	s0 =	sor.u32 s1, s0  }
0xbc: {  	s0 =	sadd.s32 $0x8F2B, s0  }
0xbd: {  	[sflag:s0] =	ssyncadd.remote.s32 $0x1  }
0xbe: {  	_ =	sfence.sel $0xFFFF  }
0xbf: {  	[dreg:$0x0] =	wrdreg $0xFFFFFFFF;
	(pc) =	sbr.abs _section_cstart, $3  }
0xc0: {  	[dreg:$0x1] =	wrdreg $0xFFFFFFFF  }
0xc1: {  	_ =	task.clear_ibuf [dreg:s7], $0x2FFFF;
	_ =	strace $0x9FFFFFFF  }
0xc2: {  	(tm) =	ssettm $0x7FFFFFFF  }
0xc3: {  	_ =	shalt  }
tec
execute0_lowered:
.L_overlay_start_1:
0x0: {  	(tag) =	ssettag $0x1  }
0x1: {  	s0 =	srdreg.scid  }
0x2: {  	s9 =	sand.u32 $0x1, s0;
	s0 =	stileid.u32  }
0x3: {  	s3 =	sor.u32 s0, s9  }
0x4: {  	p0 =	sne.s32 s3, $0x0  }
.Ltmp0:
0x5: {  	_ = 	snop;
	(pc) =	sbr.rel @p0 .LBB2_4-.Ltmp0, $4  }
0x6: {  	_ = 	snop  }
0x7: {  	s8 =	rddreg [dreg:$0x0]  }
0x8: {  	s2 =	rddreg [dreg:$0x1]  }
0x9: {  	s1 =	rddreg [dreg:$0x2];
	_ =	strace $0x80000047  }
0xa: {  	s4 =	simm.s32 $0x0;
	s3 =	simm.s32 $0x2  }
0xb: {  	[tilespmem:s4], [sflag:$0x2] =	stream.linear.gather [hbm4b:s2+s4], $0x40, $0x38;
	[tilespmem:$0x1040] =	vst v63  }
0xc: {  	s5 =	sadd.s32 $0x187400, s8;
	s9 =	ssub.s32 $0x2, s9;
	_ =	swait.ge [sflag:s3], $0x40  }
0xd: {  	s6 =	simm.s32 $0x40;
	s10 =	sshrl.u32 s9, $0x1;
	[sflag:s3] =	ssyncset.done $0x0  }
0xe: {  	s7 =	simm.s32 $0x1;
	s9 =	ssub.s32 s9, s10;
	[sflag:s3] =	ssyncadd.s32 $0xFFFFFFC0  }
0xf: {  	[tilespmem:s6], [sflag:$0x1] =	stream.indirect.gather [hbm4b:s5+s6], $0x40, s4, s6, $0xb8;
	[tilespmem:$0x1040] =	vst v63  }
0x10: {  	p0 =	sne.s32 s9, $0x1;
	_ =	swait.ge [sflag:s7], $0x1000  }
.Ltmp1:
0x11: {  	[sflag:s7] =	ssyncset.done $0x0;
	(pc) =	sbr.rel @!p0 .LBB2_3-.Ltmp1, $4  }
0x12: {  	s8 =	sadd.s32 $0xA00, s8;
	[sflag:s7] =	ssyncadd.s32 $0xFFFFF000  }
0x13: {  	[hbm4b:s8+s4] =	stream.linear.scatter [tilespmem:s6], [sflag:$0x2], $0x1000, $0x38;
	[tilespmem:$0x1040] =	vst v63  }
0x14: {  	_ =	swait.ge [sflag:s3], $0x1000  }
0x15: {  	s9 =	sadd.s32 $0xFFFFFFFF, s9;
	[sflag:s3] =	ssyncset.done $0x0  }
.LBB2_2:
0x16: {  	p0 =	sne.s32 s9, $0x1;
	s9 =	sadd.s32 $0xFFFFFFFF, s9;
	[sflag:s3] =	ssyncadd.s32 $0xFFFFF000  }
0x17: {  	[tilespmem:s4], [sflag:$0x2] =	stream.linear.gather [hbm4b:s2+s4], $0x40, $0x38;
	[tilespmem:$0x1040] =	vst v63  }
0x18: {  	_ =	swait.ge [sflag:s3], $0x40  }
0x19: {  	[sflag:s3] =	ssyncset.done $0x0  }
0x1a: {  	[sflag:s3] =	ssyncadd.s32 $0xFFFFFFC0  }
0x1b: {  	[tilespmem:s6], [sflag:$0x1] =	stream.indirect.gather [hbm4b:s5+s6], $0x40, s4, s6, $0xb8;
	[tilespmem:$0x1040] =	vst v63  }
0x1c: {  	_ =	swait.ge [sflag:s7], $0x1000  }
.Ltmp2:
0x1d: {  	[sflag:s7] =	ssyncset.done $0x0;
	(pc) =	sbr.rel @p0 .LBB2_2-.Ltmp2, $4  }
0x1e: {  	[sflag:s7] =	ssyncadd.s32 $0xFFFFF000  }
0x1f: {  	[hbm4b:s8+s4] =	stream.linear.scatter [tilespmem:s6], [sflag:$0x2], $0x1000, $0x38;
	[tilespmem:$0x1040] =	vst v63  }
0x20: {  	_ =	swait.ge [sflag:s3], $0x1000  }
0x21: {  	[sflag:s3] =	ssyncset.done $0x0  }
.LBB2_3:
0x22: {  	[sflag:s3] =	ssyncadd.s32 $0xFFFFF000  }
.LBB2_4:
0x23: {  	_ =	sfence.sel $0x180000  }
0x24: {  	[bflag:$0x0] =	sbarrier.arrive $0xFFFF  }
0x25: {  	p0 =	sne.s32 s0, $0x0;
	_ =	strace $0x90000047  }
0x26: {  	s0 =	sadd.s32 @!p0 $0x100000, s1;
	[bflag:$0x2] =	sbarrier.arrive $0xFFFF  }
0x27: {  	[sflag:s0] =	ssyncadd.tile.s32 @!p0 $0x1;
	_ =	shalt  }
.Lfunc_end2:
_tile_overlayer_lowered:
.L_overlay_start_2:
0x28: {  	(tag) =	ssettag $0x2  }
0x29: {  	s0 =	rddreg [dreg:$0x0];
	s2 =	stileid.u32  }
0x2a: {  	s1 =	rddreg [dreg:$0x1];
	p0 =	sne.s32 s2, $0x0  }
0x2b: {  	s3 =	rddreg [dreg:$0x2];
	[bflag:$0x3] =	sbarrier.arrive $0xFFFF;
	s2 =	simm.s32 @!p0 $0x1C02  }
0x2c: {  	[timem:s3], [sflag:s2] =	dma.local @!p0 [hbm:s0], s1  }
0x2d: {  	s0 =	simm.s32 @!p0 $0x2  }
0x2e: {  	_ =	swait.ge @!p0 [sflag:s0], s1  }
0x2f: {  	s1 =	ssub.s32 @!p0 $0x0, s1;
	[sflag:s0] =	ssyncset.done @!p0 $0x0  }
0x30: {  	[sflag:s0] =	ssyncadd.s32 @!p0 s1  }
0x31: {  	[bflag:$0x3] =	sbarrier.arrive $0xFFFF  }
0x32: {  	_ =	shalt  }

</sc_bundles>
